<compile_context>
chip_gen: v7x
topology: tpu7x:2x2x1
jax: 0.10.2.dev20260603
libtpu: 0.0.44.dev20260713+nightly
codegen_flags: <defaults>
</compile_context>

<pallas_src>
import functools

import jax
import jax.numpy as jnp
from jax import lax
from jax.experimental import pallas as pl
from jax.experimental.pallas import tpu as pltpu
from jax.experimental.pallas import tpu_sc as plsc

_V = 100000
_C = 256
_B = 10000
_G = _V // _B

_NC = 2
_NS = 16
_L = 16
_NW = _NC * _NS
_PW = 3120
_NV = _PW // _L
_TAILW = (_V - _PW * _NW) // _L
_NB = 272

_sc_mesh = plsc.VectorSubcoreMesh(core_axis_name="c", subcore_axis_name="s")


@functools.partial(
    pl.kernel,
    mesh=_sc_mesh,
    out_type=jax.ShapeDtypeStruct((_NW, _NB), jnp.float32),
    scratch_types=[
        pltpu.VMEM((_PW + _L,), jnp.int32),
        pltpu.VMEM((_L * _NB,), jnp.float32),
        pltpu.VMEM((_NB,), jnp.float32),
    ],
    compiler_params=pltpu.CompilerParams(needs_layout_passes=False),
)
def _sc_bincount(lab_hbm, out_hbm, lab_v, hist_v, red_v):
    wid = lax.axis_index("s") * _NC + lax.axis_index("c")
    base = wid * _PW
    pltpu.sync_copy(lab_hbm.at[pl.ds(base, _PW)], lab_v.at[pl.ds(0, _PW)])

    @pl.when(wid < _TAILW)
    def _tail_copy():
        pltpu.sync_copy(
            lab_hbm.at[pl.ds(_PW * _NW + wid * _L, _L)],
            lab_v.at[pl.ds(_PW, _L)],
        )

    zeros = jnp.zeros((_L,), jnp.float32)

    def _zero(i, c):
        hist_v[pl.ds(i * _L, _L)] = zeros
        return c

    lax.fori_loop(0, _NB, _zero, 0)

    ones = jnp.ones((_L,), jnp.float32)
    lane_off = lax.iota(jnp.int32, _L) * _NB

    def _scat(i, c):
        idx = lab_v[pl.ds(i * _L, _L)] + lane_off
        plsc.addupdate_scatter(hist_v, [idx], ones)
        return c

    lax.fori_loop(0, _NV, _scat, 0)

    @pl.when(wid < _TAILW)
    def _tail_scat():
        idx = lab_v[pl.ds(_PW, _L)] + lane_off
        plsc.addupdate_scatter(hist_v, [idx], ones)

    def _red(cv, c):
        acc = zeros
        for l in range(_L):
            acc = acc + hist_v[pl.ds(l * _NB + cv * _L, _L)]
        red_v[pl.ds(cv * _L, _L)] = acc
        return c

    lax.fori_loop(0, _NB // _L, _red, 0)
    pltpu.sync_copy(red_v, out_hbm.at[wid])


def _nll_body(pred_ref, lab_ref, out_ref):
    x = pred_ref[...]
    e = jnp.exp(x)
    ones_col = jnp.ones((_C, 1), jnp.float32)
    s = lax.dot_general(e, ones_col, (((1,), (0,)), ((), ())))
    lse = jnp.log(s)
    lab = lab_ref[0, 0, :]
    cls = lax.broadcasted_iota(jnp.int32, (_B, _C), 1)
    oh = cls == lab[:, None]
    t = jnp.where(oh, lse - x, 0.0)
    ones_row = jnp.ones((1, _B), jnp.float32)
    s_part = lax.dot_general(ones_row, t, (((1,), (0,)), ((), ())))
    out_ref[...] = s_part[None]


def _combine_body(hist_ref, s_ref, out_ref):
    counts = jnp.sum(hist_ref[...], axis=0)[:_C]
    s_c = jnp.sum(s_ref[...], axis=(0, 1))
    w = (_V - counts) * (1.0 / _V) * (counts > 0).astype(jnp.float32)
    num = jnp.sum(w * s_c)
    den = jnp.sum(w * counts)
    out_ref[...] = jnp.reshape(num / den, (1, 1))


def kernel(pred, label):
    hist = _sc_bincount(label)
    lab3 = jnp.reshape(label, (_G, 1, _B))
    s_sums = pl.pallas_call(
        _nll_body,
        grid=(_G,),
        in_specs=[
            pl.BlockSpec((_B, _C), lambda i: (i, 0)),
            pl.BlockSpec((1, 1, _B), lambda i: (i, 0, 0)),
        ],
        out_specs=pl.BlockSpec((1, 1, _C), lambda i: (i, 0, 0)),
        out_shape=jax.ShapeDtypeStruct((_G, 1, _C), jnp.float32),
        compiler_params=pltpu.CompilerParams(
            dimension_semantics=("parallel",),
        ),
        cost_estimate=pl.CostEstimate(
            flops=6 * _V * _C,
            transcendentals=_V * _C,
            bytes_accessed=4 * _V * _C,
        ),
    )(pred, lab3)
    loss = pl.pallas_call(
        _combine_body,
        out_shape=jax.ShapeDtypeStruct((1, 1), jnp.float32),
    )(hist, s_sums)
    return loss[0, 0]

# --- scband reference (transcript-rebuilt; emitter-appended) ---
"""Pipeline reference for scband-weighted-ce-6631429505474 (READ-ONLY COPY).

The authoritative reference and input builder live on the scoring server;
editing this copy changes nothing except your own understanding.
"""

import jax, jax.numpy as jnp
import numpy as np

N_CLASSES = 256


def setup_inputs(seed: int = 0) -> dict:
    key = jax.random.key(seed)
    k1, k2 = jax.random.split(key)
    pred = jax.random.normal(k1, (100000, N_CLASSES), dtype=jnp.float32)
    label = jax.random.randint(k2, (100000,), 0, N_CLASSES, dtype=jnp.int32)
    return {"pred": pred, "label": label}


def reference(pred, label):
    V = pred.shape[0]
    # torch: bincount -> nonzero counts scattered to cluster_sizes[unique(label)]
    # equivalent to a fixed-length bincount over all classes
    cluster_sizes = jnp.bincount(label, length=N_CLASSES)
    weight = (V - cluster_sizes).astype(jnp.float32) / float(V)
    weight = weight * (cluster_sizes > 0).astype(jnp.float32)
    # weighted cross entropy, reduction='mean' (torch semantics: divide by sum of sample weights)
    log_probs = jax.nn.log_softmax(pred, axis=-1)
    nll = -jnp.take_along_axis(log_probs, label[:, None], axis=1)[:, 0]
    w = jnp.take(weight, label, axis=0)
    loss = jnp.sum(w * nll) / jnp.sum(w)
    return loss

if __name__ == "__main__":
    import jax
    _d = setup_inputs()
    print(jax.jit(kernel)(*tuple(_d.values())))

</pallas_src>

<mosaic_0001>
#map = affine_map<(d0, d1) -> (0)>
#map1 = affine_map<(d0, d1) -> (0, 0)>
module attributes {stable_mosaic.version = 14 : i64} {
  func.func @_sc_bincount(%arg0: i32, %arg1: i32, %arg2: memref<100000xi32, #tpu.memory_space<hbm>>, %arg3: memref<32x272xf32, #tpu.memory_space<hbm>>, %arg4: memref<3136xi32, #tpu.memory_space<vmem>>, %arg5: memref<4352xf32, #tpu.memory_space<vmem>>, %arg6: memref<272xf32, #tpu.memory_space<vmem>>) attributes {dimension_semantics = [#tpu.dimension_semantics<core_parallel>, #tpu.dimension_semantics<subcore_parallel>], iteration_bounds = array<i64: 2, 16>, scalar_prefetch = 0 : i64, scratch_operands = 3 : i64, tpu.core_type = #tpu.core_type<sc_vector_subcore>, window_params = [{transform_indices = #map}, {transform_indices = #map1}]} {
    %mul3A = arith.constant 2 : i32
    %mul3A_0 = arith.muli %arg1, %mul3A : i32
    %add3A = arith.addi %mul3A_0, %arg0 : i32
    %mul3A_1 = arith.constant 3120 : i32
    %mul3A_2 = arith.muli %add3A, %mul3A_1 : i32
    "tpu.region"() ({
      %run_scoped3A = tpu.sem_alloc : memref<!tpu.dma_semaphore, #tpu.memory_space<semaphore_mem>>
      %dma_start3A = arith.constant 0 : i32
      %dma_start3A_33 = tpu.memref_slice %arg4[%dma_start3A] : memref<3136xi32, #tpu.memory_space<vmem>> -> memref<3120xi32, #tpu.memory_space<vmem>>
      %dma_start3A_34 = tpu.memref_slice %arg2[%mul3A_2] : memref<100000xi32, #tpu.memory_space<hbm>> -> memref<3120xi32, #tpu.memory_space<hbm>>
      %dma_start3A_35 = arith.constant 0 : i32
      %dma_start3A_36 = tpu.memref_slice %arg4[%dma_start3A_35] : memref<3136xi32, #tpu.memory_space<vmem>> -> memref<3120xi32, #tpu.memory_space<vmem>>
      %dma_start3A_37 = tpu.memref_slice %arg2[%mul3A_2] : memref<100000xi32, #tpu.memory_space<hbm>> -> memref<3120xi32, #tpu.memory_space<hbm>>
      tpu.enqueue_dma source(%dma_start3A_37 : memref<3120xi32, #tpu.memory_space<hbm>>) target(%dma_start3A_36 : memref<3120xi32, #tpu.memory_space<vmem>>) target_semaphore(%run_scoped3A : memref<!tpu.dma_semaphore, #tpu.memory_space<semaphore_mem>>)
      %dma_wait3A = arith.constant 0 : i32
      %dma_wait3A_38 = tpu.memref_slice %arg4[%dma_wait3A] : memref<3136xi32, #tpu.memory_space<vmem>> -> memref<3120xi32, #tpu.memory_space<vmem>>
      %dma_wait3A_39 = tpu.memref_slice %arg2[%mul3A_2] : memref<100000xi32, #tpu.memory_space<hbm>> -> memref<3120xi32, #tpu.memory_space<hbm>>
      %dma_wait3A_40 = arith.constant 0 : i32
      %dma_wait3A_41 = tpu.memref_slice %arg4[%dma_wait3A_40] : memref<3136xi32, #tpu.memory_space<vmem>> -> memref<3120xi32, #tpu.memory_space<vmem>>
      %dma_wait3A_42 = tpu.memref_slice %arg2[%mul3A_2] : memref<100000xi32, #tpu.memory_space<hbm>> -> memref<3120xi32, #tpu.memory_space<hbm>>
      tpu.wait_dma2 semaphore(%run_scoped3A : memref<!tpu.dma_semaphore, #tpu.memory_space<semaphore_mem>>) src(%dma_wait3A_42 : memref<3120xi32, #tpu.memory_space<hbm>>) dst(%dma_wait3A_41 : memref<3120xi32, #tpu.memory_space<vmem>>)
      tpu.yield
    }) : () -> ()
    %lt3A = arith.constant 10 : i32
    %lt3A_3 = arith.cmpi slt, %add3A, %lt3A : i32
    %convert_element_type3A = arith.extui %lt3A_3 : i1 to i32
    %cond3A = arith.constant 0 : i32
    %cond3A_4 = arith.cmpi ne, %convert_element_type3A, %cond3A : i32
    scf.if %cond3A_4 {
      %mul3A_33 = arith.constant 16 : i32
      %mul3A_34 = arith.muli %add3A, %mul3A_33 : i32
      %add3A_35 = arith.constant 99840 : i32
      %add3A_36 = arith.addi %add3A_35, %mul3A_34 : i32
      "tpu.region"() ({
        %run_scoped3A = tpu.sem_alloc : memref<!tpu.dma_semaphore, #tpu.memory_space<semaphore_mem>>
        %dma_start3A = arith.constant 3120 : i32
        %dma_start3A_37 = tpu.memref_slice %arg4[%dma_start3A] : memref<3136xi32, #tpu.memory_space<vmem>> -> memref<16xi32, #tpu.memory_space<vmem>>
        %dma_start3A_38 = tpu.memref_slice %arg2[%add3A_36] : memref<100000xi32, #tpu.memory_space<hbm>> -> memref<16xi32, #tpu.memory_space<hbm>>
        %dma_start3A_39 = arith.constant 3120 : i32
        %dma_start3A_40 = tpu.memref_slice %arg4[%dma_start3A_39] : memref<3136xi32, #tpu.memory_space<vmem>> -> memref<16xi32, #tpu.memory_space<vmem>>
        %dma_start3A_41 = tpu.memref_slice %arg2[%add3A_36] : memref<100000xi32, #tpu.memory_space<hbm>> -> memref<16xi32, #tpu.memory_space<hbm>>
        tpu.enqueue_dma source(%dma_start3A_41 : memref<16xi32, #tpu.memory_space<hbm>>) target(%dma_start3A_40 : memref<16xi32, #tpu.memory_space<vmem>>) target_semaphore(%run_scoped3A : memref<!tpu.dma_semaphore, #tpu.memory_space<semaphore_mem>>)
        %dma_wait3A = arith.constant 3120 : i32
        %dma_wait3A_42 = tpu.memref_slice %arg4[%dma_wait3A] : memref<3136xi32, #tpu.memory_space<vmem>> -> memref<16xi32, #tpu.memory_space<vmem>>
        %dma_wait3A_43 = tpu.memref_slice %arg2[%add3A_36] : memref<100000xi32, #tpu.memory_space<hbm>> -> memref<16xi32, #tpu.memory_space<hbm>>
        %dma_wait3A_44 = arith.constant 3120 : i32
        %dma_wait3A_45 = tpu.memref_slice %arg4[%dma_wait3A_44] : memref<3136xi32, #tpu.memory_space<vmem>> -> memref<16xi32, #tpu.memory_space<vmem>>
        %dma_wait3A_46 = tpu.memref_slice %arg2[%add3A_36] : memref<100000xi32, #tpu.memory_space<hbm>> -> memref<16xi32, #tpu.memory_space<hbm>>
        tpu.wait_dma2 semaphore(%run_scoped3A : memref<!tpu.dma_semaphore, #tpu.memory_space<semaphore_mem>>) src(%dma_wait3A_46 : memref<16xi32, #tpu.memory_space<hbm>>) dst(%dma_wait3A_45 : memref<16xi32, #tpu.memory_space<vmem>>)
        tpu.yield
      }) : () -> ()
    } else {
    }
    %broadcast_in_dim3A = arith.constant 0.000000e+00 : f32
    %broadcast_in_dim3A_5 = vector.broadcast %broadcast_in_dim3A : f32 to vector<16xf32>
    %scan3A = arith.constant 0 : i32
    %scan3A_6 = arith.constant 0 : i32
    %scan3A_7 = arith.constant 272 : i32
    %scan3A_8 = arith.addi %scan3A_6, %scan3A_7 : i32
    %scan3A_9 = arith.constant 1 : i32
    scf.for %scan3A_33 = %scan3A_6 to %scan3A_8 step %scan3A_9  : i32 {
      %mul3A_34 = arith.constant 16 : i32
      %mul3A_35 = arith.muli %scan3A_33, %mul3A_34 : i32
      %swap3A = arith.index_cast %mul3A_35 : i32 to index
      %swap3A_36 = tpu.vector_load %arg5[%swap3A] {strides = array<i32>} : memref<4352xf32, #tpu.memory_space<vmem>>, vector<16xf32>,
      tpu.vector_store %arg5[%swap3A], %broadcast_in_dim3A_5 {strides = array<i32>} : memref<4352xf32, #tpu.memory_space<vmem>>, vector<16xf32>,
    }
    %scan3A_10 = arith.constant 272 : i32
    %broadcast_in_dim3A_11 = arith.constant 1.000000e+00 : f32
    %broadcast_in_dim3A_12 = vector.broadcast %broadcast_in_dim3A_11 : f32 to vector<16xf32>
    %iota3A = tpu.iota {dimensions = array<i32: 0>} : vector<16xi32>
    %mul3A_13 = arith.constant 272 : i32
    %mul3A_14 = vector.broadcast %mul3A_13 : i32 to vector<16xi32>
    %mul3A_15 = arith.muli %iota3A, %mul3A_14 : vector<16xi32>
    %scan3A_16 = arith.constant 0 : i32
    %scan3A_17 = arith.constant 0 : i32
    %scan3A_18 = arith.constant 195 : i32
    %scan3A_19 = arith.addi %scan3A_17, %scan3A_18 : i32
    %scan3A_20 = arith.constant 1 : i32
    scf.for %scan3A_33 = %scan3A_17 to %scan3A_19 step %scan3A_20  : i32 {
      %mul3A_34 = arith.constant 16 : i32
      %mul3A_35 = arith.muli %scan3A_33, %mul3A_34 : i32
      %get3A = arith.index_cast %mul3A_35 : i32 to index
      %get3A_36 = tpu.vector_load %arg4[%get3A] {strides = array<i32>} : memref<3136xi32, #tpu.memory_space<vmem>>, vector<16xi32>,
      %add3A_37 = arith.addi %get3A_36, %mul3A_15 : vector<16xi32>
      tpu.vector_store_idx %arg5[%add3A_37], %broadcast_in_dim3A_12 {add = true} : memref<4352xf32, #tpu.memory_space<vmem>>[vector<16xi32>], vector<16xf32>,
    }
    %scan3A_21 = arith.constant 195 : i32
    %lt3A_22 = arith.constant 10 : i32
    %lt3A_23 = arith.cmpi slt, %add3A, %lt3A_22 : i32
    %convert_element_type3A_24 = arith.extui %lt3A_23 : i1 to i32
    %cond3A_25 = arith.constant 0 : i32
    %cond3A_26 = arith.cmpi ne, %convert_element_type3A_24, %cond3A_25 : i32
    scf.if %cond3A_26 {
      %get3A = arith.constant 3120 : index
      %get3A_33 = tpu.vector_load %arg4[%get3A] {strides = array<i32>} : memref<3136xi32, #tpu.memory_space<vmem>>, vector<16xi32>,
      %add3A_34 = arith.addi %get3A_33, %mul3A_15 : vector<16xi32>
      tpu.vector_store_idx %arg5[%add3A_34], %broadcast_in_dim3A_12 {add = true} : memref<4352xf32, #tpu.memory_space<vmem>>[vector<16xi32>], vector<16xf32>,
    } else {
    }
    %scan3A_27 = arith.constant 0 : i32
    %scan3A_28 = arith.constant 0 : i32
    %scan3A_29 = arith.constant 17 : i32
    %scan3A_30 = arith.addi %scan3A_28, %scan3A_29 : i32
    %scan3A_31 = arith.constant 1 : i32
    scf.for %scan3A_33 = %scan3A_28 to %scan3A_30 step %scan3A_31  : i32 {
      %mul3A_34 = arith.constant 16 : i32
      %mul3A_35 = arith.muli %scan3A_33, %mul3A_34 : i32
      %add3A_36 = arith.constant 0 : i32
      %add3A_37 = arith.addi %add3A_36, %mul3A_35 : i32
      %get3A = arith.index_cast %add3A_37 : i32 to index
      %get3A_38 = tpu.vector_load %arg5[%get3A] {strides = array<i32>} : memref<4352xf32, #tpu.memory_space<vmem>>, vector<16xf32>,
      %add3A_39 = arith.addf %broadcast_in_dim3A_5, %get3A_38 : vector<16xf32>
      %mul3A_40 = arith.constant 16 : i32
      %mul3A_41 = arith.muli %scan3A_33, %mul3A_40 : i32
      %add3A_42 = arith.constant 272 : i32
      %add3A_43 = arith.addi %add3A_42, %mul3A_41 : i32
      %get3A_44 = arith.index_cast %add3A_43 : i32 to index
      %get3A_45 = tpu.vector_load %arg5[%get3A_44] {strides = array<i32>} : memref<4352xf32, #tpu.memory_space<vmem>>, vector<16xf32>,
      %add3A_46 = arith.addf %add3A_39, %get3A_45 : vector<16xf32>
      %mul3A_47 = arith.constant 16 : i32
      %mul3A_48 = arith.muli %scan3A_33, %mul3A_47 : i32
      %add3A_49 = arith.constant 544 : i32
      %add3A_50 = arith.addi %add3A_49, %mul3A_48 : i32
      %get3A_51 = arith.index_cast %add3A_50 : i32 to index
      %get3A_52 = tpu.vector_load %arg5[%get3A_51] {strides = array<i32>} : memref<4352xf32, #tpu.memory_space<vmem>>, vector<16xf32>,
      %add3A_53 = arith.addf %add3A_46, %get3A_52 : vector<16xf32>
      %mul3A_54 = arith.constant 16 : i32
      %mul3A_55 = arith.muli %scan3A_33, %mul3A_54 : i32
      %add3A_56 = arith.constant 816 : i32
      %add3A_57 = arith.addi %add3A_56, %mul3A_55 : i32
      %get3A_58 = arith.index_cast %add3A_57 : i32 to index
      %get3A_59 = tpu.vector_load %arg5[%get3A_58] {strides = array<i32>} : memref<4352xf32, #tpu.memory_space<vmem>>, vector<16xf32>,
      %add3A_60 = arith.addf %add3A_53, %get3A_59 : vector<16xf32>
      %mul3A_61 = arith.constant 16 : i32
      %mul3A_62 = arith.muli %scan3A_33, %mul3A_61 : i32
      %add3A_63 = arith.constant 1088 : i32
      %add3A_64 = arith.addi %add3A_63, %mul3A_62 : i32
      %get3A_65 = arith.index_cast %add3A_64 : i32 to index
      %get3A_66 = tpu.vector_load %arg5[%get3A_65] {strides = array<i32>} : memref<4352xf32, #tpu.memory_space<vmem>>, vector<16xf32>,
      %add3A_67 = arith.addf %add3A_60, %get3A_66 : vector<16xf32>
      %mul3A_68 = arith.constant 16 : i32
      %mul3A_69 = arith.muli %scan3A_33, %mul3A_68 : i32
      %add3A_70 = arith.constant 1360 : i32
      %add3A_71 = arith.addi %add3A_70, %mul3A_69 : i32
      %get3A_72 = arith.index_cast %add3A_71 : i32 to index
      %get3A_73 = tpu.vector_load %arg5[%get3A_72] {strides = array<i32>} : memref<4352xf32, #tpu.memory_space<vmem>>, vector<16xf32>,
      %add3A_74 = arith.addf %add3A_67, %get3A_73 : vector<16xf32>
      %mul3A_75 = arith.constant 16 : i32
      %mul3A_76 = arith.muli %scan3A_33, %mul3A_75 : i32
      %add3A_77 = arith.constant 1632 : i32
      %add3A_78 = arith.addi %add3A_77, %mul3A_76 : i32
      %get3A_79 = arith.index_cast %add3A_78 : i32 to index
      %get3A_80 = tpu.vector_load %arg5[%get3A_79] {strides = array<i32>} : memref<4352xf32, #tpu.memory_space<vmem>>, vector<16xf32>,
      %add3A_81 = arith.addf %add3A_74, %get3A_80 : vector<16xf32>
      %mul3A_82 = arith.constant 16 : i32
      %mul3A_83 = arith.muli %scan3A_33, %mul3A_82 : i32
      %add3A_84 = arith.constant 1904 : i32
      %add3A_85 = arith.addi %add3A_84, %mul3A_83 : i32
      %get3A_86 = arith.index_cast %add3A_85 : i32 to index
      %get3A_87 = tpu.vector_load %arg5[%get3A_86] {strides = array<i32>} : memref<4352xf32, #tpu.memory_space<vmem>>, vector<16xf32>,
      %add3A_88 = arith.addf %add3A_81, %get3A_87 : vector<16xf32>
      %mul3A_89 = arith.constant 16 : i32
      %mul3A_90 = arith.muli %scan3A_33, %mul3A_89 : i32
      %add3A_91 = arith.constant 2176 : i32
      %add3A_92 = arith.addi %add3A_91, %mul3A_90 : i32
      %get3A_93 = arith.index_cast %add3A_92 : i32 to index
      %get3A_94 = tpu.vector_load %arg5[%get3A_93] {strides = array<i32>} : memref<4352xf32, #tpu.memory_space<vmem>>, vector<16xf32>,
      %add3A_95 = arith.addf %add3A_88, %get3A_94 : vector<16xf32>
      %mul3A_96 = arith.constant 16 : i32
      %mul3A_97 = arith.muli %scan3A_33, %mul3A_96 : i32
      %add3A_98 = arith.constant 2448 : i32
      %add3A_99 = arith.addi %add3A_98, %mul3A_97 : i32
      %get3A_100 = arith.index_cast %add3A_99 : i32 to index
      %get3A_101 = tpu.vector_load %arg5[%get3A_100] {strides = array<i32>} : memref<4352xf32, #tpu.memory_space<vmem>>, vector<16xf32>,
      %add3A_102 = arith.addf %add3A_95, %get3A_101 : vector<16xf32>
      %mul3A_103 = arith.constant 16 : i32
      %mul3A_104 = arith.muli %scan3A_33, %mul3A_103 : i32
      %add3A_105 = arith.constant 2720 : i32
      %add3A_106 = arith.addi %add3A_105, %mul3A_104 : i32
      %get3A_107 = arith.index_cast %add3A_106 : i32 to index
      %get3A_108 = tpu.vector_load %arg5[%get3A_107] {strides = array<i32>} : memref<4352xf32, #tpu.memory_space<vmem>>, vector<16xf32>,
      %add3A_109 = arith.addf %add3A_102, %get3A_108 : vector<16xf32>
      %mul3A_110 = arith.constant 16 : i32
      %mul3A_111 = arith.muli %scan3A_33, %mul3A_110 : i32
      %add3A_112 = arith.constant 2992 : i32
      %add3A_113 = arith.addi %add3A_112, %mul3A_111 : i32
      %get3A_114 = arith.index_cast %add3A_113 : i32 to index
      %get3A_115 = tpu.vector_load %arg5[%get3A_114] {strides = array<i32>} : memref<4352xf32, #tpu.memory_space<vmem>>, vector<16xf32>,
      %add3A_116 = arith.addf %add3A_109, %get3A_115 : vector<16xf32>
      %mul3A_117 = arith.constant 16 : i32
      %mul3A_118 = arith.muli %scan3A_33, %mul3A_117 : i32
      %add3A_119 = arith.constant 3264 : i32
      %add3A_120 = arith.addi %add3A_119, %mul3A_118 : i32
      %get3A_121 = arith.index_cast %add3A_120 : i32 to index
      %get3A_122 = tpu.vector_load %arg5[%get3A_121] {strides = array<i32>} : memref<4352xf32, #tpu.memory_space<vmem>>, vector<16xf32>,
      %add3A_123 = arith.addf %add3A_116, %get3A_122 : vector<16xf32>
      %mul3A_124 = arith.constant 16 : i32
      %mul3A_125 = arith.muli %scan3A_33, %mul3A_124 : i32
      %add3A_126 = arith.constant 3536 : i32
      %add3A_127 = arith.addi %add3A_126, %mul3A_125 : i32
      %get3A_128 = arith.index_cast %add3A_127 : i32 to index
      %get3A_129 = tpu.vector_load %arg5[%get3A_128] {strides = array<i32>} : memref<4352xf32, #tpu.memory_space<vmem>>, vector<16xf32>,
      %add3A_130 = arith.addf %add3A_123, %get3A_129 : vector<16xf32>
      %mul3A_131 = arith.constant 16 : i32
      %mul3A_132 = arith.muli %scan3A_33, %mul3A_131 : i32
      %add3A_133 = arith.constant 3808 : i32
      %add3A_134 = arith.addi %add3A_133, %mul3A_132 : i32
      %get3A_135 = arith.index_cast %add3A_134 : i32 to index
      %get3A_136 = tpu.vector_load %arg5[%get3A_135] {strides = array<i32>} : memref<4352xf32, #tpu.memory_space<vmem>>, vector<16xf32>,
      %add3A_137 = arith.addf %add3A_130, %get3A_136 : vector<16xf32>
      %mul3A_138 = arith.constant 16 : i32
      %mul3A_139 = arith.muli %scan3A_33, %mul3A_138 : i32
      %add3A_140 = arith.constant 4080 : i32
      %add3A_141 = arith.addi %add3A_140, %mul3A_139 : i32
      %get3A_142 = arith.index_cast %add3A_141 : i32 to index
      %get3A_143 = tpu.vector_load %arg5[%get3A_142] {strides = array<i32>} : memref<4352xf32, #tpu.memory_space<vmem>>, vector<16xf32>,
      %add3A_144 = arith.addf %add3A_137, %get3A_143 : vector<16xf32>
      %mul3A_145 = arith.constant 16 : i32
      %mul3A_146 = arith.muli %scan3A_33, %mul3A_145 : i32
      %swap3A = arith.index_cast %mul3A_146 : i32 to index
      %swap3A_147 = tpu.vector_load %arg6[%swap3A] {strides = array<i32>} : memref<272xf32, #tpu.memory_space<vmem>>, vector<16xf32>,
      tpu.vector_store %arg6[%swap3A], %add3A_144 {strides = array<i32>} : memref<272xf32, #tpu.memory_space<vmem>>, vector<16xf32>,
    }
    %scan3A_32 = arith.constant 17 : i32
    "tpu.region"() ({
      %run_scoped3A = tpu.sem_alloc : memref<!tpu.dma_semaphore, #tpu.memory_space<semaphore_mem>>
      %dma_start3A = arith.constant 0 : i32
      %dma_start3A_33 = tpu.memref_slice %arg3[%add3A, %dma_start3A] : memref<32x272xf32, #tpu.memory_space<hbm>> -> memref<1x272xf32, #tpu.memory_space<hbm>>
      %dma_start3A_34 = tpu.memref_squeeze %dma_start3A_33 : memref<1x272xf32, #tpu.memory_space<hbm>> -> memref<272xf32, #tpu.memory_space<hbm>>
      %dma_start3A_35 = arith.constant 0 : i32
      %dma_start3A_36 = tpu.memref_slice %arg3[%add3A, %dma_start3A_35] : memref<32x272xf32, #tpu.memory_space<hbm>> -> memref<1x272xf32, #tpu.memory_space<hbm>>
      %dma_start3A_37 = tpu.memref_squeeze %dma_start3A_36 : memref<1x272xf32, #tpu.memory_space<hbm>> -> memref<272xf32, #tpu.memory_space<hbm>>
      tpu.enqueue_dma source(%arg6 : memref<272xf32, #tpu.memory_space<vmem>>) target(%dma_start3A_37 : memref<272xf32, #tpu.memory_space<hbm>>) target_semaphore(%run_scoped3A : memref<!tpu.dma_semaphore, #tpu.memory_space<semaphore_mem>>)
      %dma_wait3A = arith.constant 0 : i32
      %dma_wait3A_38 = tpu.memref_slice %arg3[%add3A, %dma_wait3A] : memref<32x272xf32, #tpu.memory_space<hbm>> -> memref<1x272xf32, #tpu.memory_space<hbm>>
      %dma_wait3A_39 = tpu.memref_squeeze %dma_wait3A_38 : memref<1x272xf32, #tpu.memory_space<hbm>> -> memref<272xf32, #tpu.memory_space<hbm>>
      %dma_wait3A_40 = arith.constant 0 : i32
      %dma_wait3A_41 = tpu.memref_slice %arg3[%add3A, %dma_wait3A_40] : memref<32x272xf32, #tpu.memory_space<hbm>> -> memref<1x272xf32, #tpu.memory_space<hbm>>
      %dma_wait3A_42 = tpu.memref_squeeze %dma_wait3A_41 : memref<1x272xf32, #tpu.memory_space<hbm>> -> memref<272xf32, #tpu.memory_space<hbm>>
      tpu.wait_dma2 semaphore(%run_scoped3A : memref<!tpu.dma_semaphore, #tpu.memory_space<semaphore_mem>>) src(%arg6 : memref<272xf32, #tpu.memory_space<vmem>>) dst(%dma_wait3A_42 : memref<272xf32, #tpu.memory_space<hbm>>)
      tpu.yield
    }) : () -> ()
    return
  }
}

module attributes {stable_mosaic.version = 14 : i64} {
  func.func @_combine_body(%arg0: memref<32x272xf32, #tpu.memory_space<vmem>>, %arg1: memref<10x1x256xf32, #tpu.memory_space<vmem>>, %arg2: memref<1x1xf32, #tpu.memory_space<vmem>>) attributes {dimension_semantics = [], scalar_prefetch = 0 : i64, scratch_operands = 0 : i64, tpu.core_type = #tpu.core_type<tc>} {
    %get3A = arith.constant 0 : index
    %get3A_0 = arith.constant 0 : index
    %get3A_1 = vector.load %arg0[%get3A, %get3A_0] : memref<32x272xf32, #tpu.memory_space<vmem>>, vector<32x272xf32>
    %reduce_sum3A = arith.constant dense<0.000000e+00> : vector<272xf32>
    %reduce_sum3A_2 = vector.multi_reduction <add>, %get3A_1, %reduce_sum3A [0] : vector<32x272xf32> to vector<272xf32>
    %slice3A = vector.extract_strided_slice %reduce_sum3A_2 {offsets = [0], sizes = [256], strides = [1]} : vector<272xf32> to vector<256xf32>
    %get3A_3 = arith.constant 0 : index
    %get3A_4 = arith.constant 0 : index
    %get3A_5 = arith.constant 0 : index
    %get3A_6 = vector.load %arg1[%get3A_3, %get3A_4, %get3A_5] : memref<10x1x256xf32, #tpu.memory_space<vmem>>, vector<10x1x256xf32>
    %reduce_sum3A_7 = arith.constant dense<0.000000e+00> : vector<256xf32>
    %reduce_sum3A_8 = vector.multi_reduction <add>, %get3A_6, %reduce_sum3A_7 [0, 1] : vector<10x1x256xf32> to vector<256xf32>
    %sub3A = arith.constant 1.000000e+05 : f32
    %sub3A_9 = vector.broadcast %sub3A : f32 to vector<256xf32>
    %sub3A_10 = arith.subf %sub3A_9, %slice3A : vector<256xf32>
    %mul3A = arith.constant 9.99999974E-6 : f32
    %mul3A_11 = vector.broadcast %mul3A : f32 to vector<256xf32>
    %mul3A_12 = arith.mulf %sub3A_10, %mul3A_11 : vector<256xf32>
    %gt3A = arith.constant 0.000000e+00 : f32
    %gt3A_13 = vector.broadcast %gt3A : f32 to vector<256xf32>
    %gt3A_14 = arith.cmpf ogt, %slice3A, %gt3A_13 : vector<256xf32>
    %convert_element_type3A = arith.extui %gt3A_14 : vector<256xi1> to vector<256xi32>
    %convert_element_type3A_15 = arith.sitofp %convert_element_type3A : vector<256xi32> to vector<256xf32>
    %mul3A_16 = arith.mulf %mul3A_12, %convert_element_type3A_15 : vector<256xf32>
    %mul3A_17 = arith.mulf %mul3A_16, %reduce_sum3A_8 : vector<256xf32>
    %reduce_sum3A_18 = vector.shape_cast %mul3A_17 : vector<256xf32> to vector<1x256xf32>
    %reduce_sum3A_19 = arith.constant dense<0.000000e+00> : vector<1xf32>
    %reduce_sum3A_20 = vector.multi_reduction <add>, %reduce_sum3A_18, %reduce_sum3A_19 [1] : vector<1x256xf32> to vector<1xf32>
    %reduce_sum3A_21 = vector.shape_cast %reduce_sum3A_20 : vector<1xf32> to vector<1x1xf32>
    %reduce_sum3A_22 = vector.extract %reduce_sum3A_21[0, 0] : f32 from vector<1x1xf32>
    %mul3A_23 = arith.mulf %mul3A_16, %slice3A : vector<256xf32>
    %reduce_sum3A_24 = vector.shape_cast %mul3A_23 : vector<256xf32> to vector<1x256xf32>
    %reduce_sum3A_25 = arith.constant dense<0.000000e+00> : vector<1xf32>
    %reduce_sum3A_26 = vector.multi_reduction <add>, %reduce_sum3A_24, %reduce_sum3A_25 [1] : vector<1x256xf32> to vector<1xf32>
    %reduce_sum3A_27 = vector.shape_cast %reduce_sum3A_26 : vector<1xf32> to vector<1x1xf32>
    %reduce_sum3A_28 = vector.extract %reduce_sum3A_27[0, 0] : f32 from vector<1x1xf32>
    %div3A = arith.divf %reduce_sum3A_22, %reduce_sum3A_28 : f32
    %reshape3A = vector.broadcast %div3A : f32 to vector<1x1xf32>
    %swap3A = arith.constant 0 : index
    %swap3A_29 = arith.constant 0 : index
    %swap3A_30 = vector.load %arg2[%swap3A, %swap3A_29] : memref<1x1xf32, #tpu.memory_space<vmem>>, vector<1x1xf32>
    tpu.vector_store %arg2[%swap3A, %swap3A_29], %reshape3A {strides = array<i32>} : memref<1x1xf32, #tpu.memory_space<vmem>>, vector<1x1xf32>,
    return
  }
}

module attributes {stable_mosaic.version = 14 : i64} {
  func.func @_nll_body(%arg0: i32, %arg1: memref<10000x256xf32, #tpu.memory_space<vmem>>, %arg2: memref<1x1x10000xi32, #tpu.memory_space<vmem>>, %arg3: memref<1x1x256xf32, #tpu.memory_space<vmem>>) attributes {dimension_semantics = [#tpu.dimension_semantics<parallel>], iteration_bounds = array<i64: 10>, scalar_prefetch = 0 : i64, scratch_operands = 0 : i64, tpu.core_type = #tpu.core_type<tc>, window_params = [{transform_indices = @transform_0, window_bounds = array<i64: 10000, 256>}, {transform_indices = @transform_1, window_bounds = array<i64: 1, 1, 10000>}, {transform_indices = @transform_2, window_bounds = array<i64: 1, 1, 256>}]} {
    %get3A = arith.constant 0 : index
    %get3A_0 = arith.constant 0 : index
    %get3A_1 = vector.load %arg1[%get3A, %get3A_0] : memref<10000x256xf32, #tpu.memory_space<vmem>>, vector<10000x256xf32>
    %exp3A = math.exp %get3A_1 : vector<10000x256xf32>
    %broadcast_in_dim3A = arith.constant 1.000000e+00 : f32
    %broadcast_in_dim3A_2 = vector.broadcast %broadcast_in_dim3A : f32 to vector<256x1xf32>
    %dot_general3A = arith.constant dense<0.000000e+00> : vector<10000x1xf32>
    %dot_general3A_3 = tpu.matmul %exp3A, %broadcast_in_dim3A_2, %dot_general3A {dimension_numbers = #tpu.dot_dimension_numbers<[1], [0], [0], [1], [0, 0, 1, 1], [], []>, transpose_lhs_hint = false} : vector<10000x256xf32>, vector<256x1xf32>, vector<10000x1xf32> -> vector<10000x1xf32>
    %log3A = math.log %dot_general3A_3 : vector<10000x1xf32>
    %get3A_4 = arith.constant 0 : index
    %get3A_5 = arith.constant 0 : index
    %get3A_6 = arith.constant 0 : index
    %get3A_7 = vector.load %arg2[%get3A_4, %get3A_5, %get3A_6] : memref<1x1x10000xi32, #tpu.memory_space<vmem>>, vector<1x1x10000xi32>
    %get3A_8 = vector.shape_cast %get3A_7 : vector<1x1x10000xi32> to vector<10000xi32>
    %iota3A = tpu.iota {dimensions = array<i32: 1>} : vector<10000x256xi32>
    %broadcast_in_dim3A_9 = vector.shape_cast %get3A_8 : vector<10000xi32> to vector<10000x1xi32>
    %eq3A = vector.broadcast %broadcast_in_dim3A_9 : vector<10000x1xi32> to vector<10000x256xi32>
    %eq3A_10 = arith.cmpi eq, %iota3A, %eq3A : vector<10000x256xi32>
    %sub3A = vector.broadcast %log3A : vector<10000x1xf32> to vector<10000x256xf32>
    %sub3A_11 = arith.subf %sub3A, %get3A_1 : vector<10000x256xf32>
    %jit3A = arith.constant 0.000000e+00 : f32
    %broadcast_in_dim3A_12 = vector.broadcast %jit3A : f32 to vector<10000x256xf32>
    %select_n3A = arith.select %eq3A_10, %sub3A_11, %broadcast_in_dim3A_12 : vector<10000x256xi1>, vector<10000x256xf32>
    %broadcast_in_dim3A_13 = arith.constant 1.000000e+00 : f32
    %broadcast_in_dim3A_14 = vector.broadcast %broadcast_in_dim3A_13 : f32 to vector<1x10000xf32>
    %dot_general3A_15 = arith.constant dense<0.000000e+00> : vector<1x256xf32>
    %dot_general3A_16 = tpu.matmul %broadcast_in_dim3A_14, %select_n3A, %dot_general3A_15 {dimension_numbers = #tpu.dot_dimension_numbers<[1], [0], [0], [1], [0, 0, 1, 1], [], []>, transpose_lhs_hint = false} : vector<1x10000xf32>, vector<10000x256xf32>, vector<1x256xf32> -> vector<1x256xf32>
    %broadcast_in_dim3A_17 = vector.shape_cast %dot_general3A_16 : vector<1x256xf32> to vector<1x1x256xf32>
    %swap3A = arith.constant 0 : index
    %swap3A_18 = arith.constant 0 : index
    %swap3A_19 = arith.constant 0 : index
    %swap3A_20 = vector.load %arg3[%swap3A, %swap3A_18, %swap3A_19] : memref<1x1x256xf32, #tpu.memory_space<vmem>>, vector<1x1x256xf32>
    tpu.vector_store %arg3[%swap3A, %swap3A_18, %swap3A_19], %broadcast_in_dim3A_17 {strides = array<i32>} : memref<1x1x256xf32, #tpu.memory_space<vmem>>, vector<1x1x256xf32>,
    return
  }
  func.func @transform_0(%arg0: i32) -> (i32, i32) {
    %c0_i32 = arith.constant 0 : i32
    %c0_i32_0 = arith.constant 0 : i32
    return %arg0, %c0_i32 : i32, i32
  }
  func.func @transform_1(%arg0: i32) -> (i32, i32, i32) {
    %c0_i32 = arith.constant 0 : i32
    %c0_i32_0 = arith.constant 0 : i32
    %c0_i32_1 = arith.constant 0 : i32
    return %arg0, %c0_i32, %c0_i32_0 : i32, i32, i32
  }
  func.func @transform_2(%arg0: i32) -> (i32, i32, i32) {
    %c0_i32 = arith.constant 0 : i32
    %c0_i32_0 = arith.constant 0 : i32
    %c0_i32_1 = arith.constant 0 : i32
    return %arg0, %c0_i32, %c0_i32_0 : i32, i32, i32
  }
}

</mosaic_0001>

<sc_bundles>
// kernel: kernel.5.cloned.1.call-start
scs
__scs_entry_jumppad:
0x0: {  	(pc) =	sbr.rel $0x88, $3  }
0x1: {  	(tag) =	ssettag $0x0;
	lr =	simm.s32 $0x1  }
0x2: {  	[smem:$0x3F9F] =	sst lr;
	_ =	strace $0xD0000000  }
0x3: {  	_ = 	snop  }
0x4: {  	_ = 	snop  }
0x5: {  	_ = 	snop  }
0x6: {  	_ = 	snop  }
0x7: {  	_ = 	snop  }
__scs_overlays_trampoline_lowered:
0x8: {  	[smem:$0x3FAE] =	sst s0  }
0x9: {  	[smem:$0x3FAF] =	sst s1  }
0xa: {  	[smem:$0x3FB0] =	sst s2  }
0xb: {  	[smem:$0x3FB1] =	sst s3  }
0xc: {  	[smem:$0x3FB2] =	sst s4  }
0xd: {  	[smem:$0x3FB3] =	sst s5  }
0xe: {  	[smem:$0x3FB4] =	sst s6  }
0xf: {  	[smem:$0x3FB5] =	sst s7  }
0x10: {  	[smem:$0x3FB6] =	sst s8  }
0x11: {  	[smem:$0x3FB7] =	sst s9;
	s0 =	simm.s32 @!p0 $0x0  }
0x12: {  	s1 =	sld [smem:$0x3F9D];
	s0 =	simm.s32 @p0 $0x1  }
0x13: {  	[smem:$0x3FB8] =	sst s0;
	s0 =	simm.s32 @!p1 $0x0  }
0x14: {  	s2 =	sld [smem:$0x3F9C];
	s0 =	simm.s32 @p1 $0x1  }
0x15: {  	[smem:$0x3FB9] =	sst s0;
	s0 =	simm.s32 @!p2 $0x0  }
0x16: {  	s3 =	sld [smem:$0x3FDB];
	s0 =	simm.s32 @p2 $0x1  }
0x17: {  	s4 =	simm.s32 $0x1BF5;
	[smem:$0x3FBB] =	sst s0  }
0x18: {  	s0 =	sld [smem:$0x3F9E];
	_ =	swait.ge [sflag:s4], $0x0  }
0x19: {  	s7 =	sld [smem:$0x3F9F]  }
0x1a: {  	s8 =	sadd.s32 $0xFFFFE003, lr  }
0x1b: {  	s9 =	sadd.s32 $0xFFFFFEF7, lr;
	s5 =	simm.s32 $0xFFFFFFFF;
	p2 =	slt.u32 s8, $0xFFFFF086  }
0x1c: {  	p1 =	slt.u32 s9, $0xF7A;
	s5 =	simm.s32 @!p2 $0x0  }
0x1d: {  	s5 =	simm.s32 @p1 $0x1;
	p0 =	seq.s32 s7, s2  }
0x1e: {  	s7 =	smul.u32 @!p0 $0xF7A, s2;
	p2 =	seq.s32 @!p0 s5, $0x0  }
0x1f: {  	s9 =	smul.u32 $0xF7A, s1;
	s8 =	simm.s32 @!p0 $0x1BF5;
	p2 =	por !p2, p0  }
0x20: {  	[sflag:s8] =	ssyncset.s32 @!p0 $0xFFFFF086;
	s6 =	sadd.s32 @!p0 s3, s7;
	s7 =	simm.s32 @!p0 $0x108  }
0x21: {  	s3 =	sadd.s32 s3, s9;
	s6 =	sadd.s32 @!p0 $0x88, s6;
	s7 =	simm.s32 @p2 $0x1082  }
0x22: {  	[simem:s7], [sflag:s8] =	dma.local @!p0 [hbm:s6], $0xF7A  }
0x23: {  	s9 =	sor.u32 $0xD0000000, s2;
	s6 =	simm.s32 $0x108;
	_ =	swait.ge @!p0 [sflag:s8], $0x0  }
0x24: {  	s3 =	sadd.s32 $0x88, s3;
	s6 =	simm.s32 @!p1 $0x1082;
	[sflag:s4] =	ssyncset.s32 $0xFFFFF086  }
0x25: {  	[simem:s6], [sflag:s4] =	dma.local [hbm:s3], $0xF7A  }
0x26: {  	[smem:$0x3F9F] =	sst s1;
	(tag) =	ssettag s2;
	_ =	strace s9  }
0x27: {  	s1 =	sld [smem:$0x3FAF]  }
0x28: {  	s2 =	sld [smem:$0x3FB0]  }
0x29: {  	s4 =	sld [smem:$0x3FB2]  }
0x2a: {  	p0 =	seq.s32 s5, $0x0;
	s5 =	sld [smem:$0x3FB3]  }
0x2b: {  	s6 =	sld [smem:$0x3FB4]  }
0x2c: {  	s7 =	sld [smem:$0x3FB5]  }
0x2d: {  	s3 =	simm.s32 $0x108;
	s8 =	sld [smem:$0x3FB6]  }
0x2e: {  	s3 =	simm.s32 @!p0 $0x1082;
	s9 =	sld [smem:$0x3FB7]  }
0x2f: {  	lr =	sadd.s32 s0, s3;
	s0 =	sld [smem:$0x3FAE]  }
0x30: {  	s3 =	sld [smem:$0x3FB1]  }
0x31: {  	[smem:$0x3FBA] =	sst s10  }
0x32: {  	s10 =	sld [smem:$0x3FB8];
	_ =	sdelay $0x3  }
0x33: {  	p0 =	seq.s32 s10, $0x1;
	s10 =	sld [smem:$0x3FBA];
	_ =	sdelay $0x3  }
0x34: {  	[smem:$0x3FBA] =	sst s10  }
0x35: {  	s10 =	sld [smem:$0x3FB9];
	_ =	sdelay $0x3  }
0x36: {  	p1 =	seq.s32 s10, $0x1;
	s10 =	sld [smem:$0x3FBA];
	_ =	sdelay $0x3  }
0x37: {  	[smem:$0x3FBA] =	sst s10  }
0x38: {  	s10 =	sld [smem:$0x3FBB]  }
0x39: {  	_ = 	snop;
	(pc) =	sbr.ind lr, $3  }
0x3a: {  	_ = 	snop  }
0x3b: {  	_ = 	snop  }
0x3c: {  	p2 =	seq.s32 s10, $0x1;
	s10 =	sld [smem:$0x3FBA]  }
0x3d: {  	_ =	shalt  }
0x3e: {  	_ =	shalt  }
0x3f: {  	_ =	shalt  }
0x40: {  	_ =	shalt  }
0x41: {  	_ =	shalt  }
0x42: {  	_ =	shalt  }
0x43: {  	_ =	shalt  }
0x44: {  	_ =	shalt  }
0x45: {  	_ =	shalt  }
0x46: {  	_ =	shalt  }
0x47: {  	_ =	shalt  }
0x48: {  	_ =	shalt  }
0x49: {  	_ =	shalt  }
0x4a: {  	_ =	shalt  }
0x4b: {  	_ =	shalt  }
0x4c: {  	_ =	shalt  }
0x4d: {  	_ =	shalt  }
0x4e: {  	_ =	shalt  }
0x4f: {  	_ =	shalt  }
0x50: {  	_ =	shalt  }
0x51: {  	_ =	shalt  }
0x52: {  	_ =	shalt  }
0x53: {  	_ =	shalt  }
0x54: {  	_ =	shalt  }
0x55: {  	_ =	shalt  }
0x56: {  	_ =	shalt  }
0x57: {  	_ =	shalt  }
0x58: {  	_ =	shalt  }
0x59: {  	_ =	shalt  }
0x5a: {  	_ =	shalt  }
0x5b: {  	_ =	shalt  }
0x5c: {  	_ =	shalt  }
0x5d: {  	_ =	shalt  }
0x5e: {  	_ =	shalt  }
0x5f: {  	_ =	shalt  }
0x60: {  	_ =	shalt  }
0x61: {  	_ =	shalt  }
0x62: {  	_ =	shalt  }
0x63: {  	_ =	shalt  }
0x64: {  	_ =	shalt  }
0x65: {  	_ =	shalt  }
0x66: {  	_ =	shalt  }
0x67: {  	_ =	shalt  }
0x68: {  	_ =	shalt  }
0x69: {  	_ =	shalt  }
0x6a: {  	_ =	shalt  }
0x6b: {  	_ =	shalt  }
0x6c: {  	_ =	shalt  }
0x6d: {  	_ =	shalt  }
0x6e: {  	_ =	shalt  }
0x6f: {  	_ =	shalt  }
0x70: {  	_ =	shalt  }
0x71: {  	_ =	shalt  }
0x72: {  	_ =	shalt  }
0x73: {  	_ =	shalt  }
0x74: {  	_ =	shalt  }
0x75: {  	_ =	shalt  }
0x76: {  	_ =	shalt  }
0x77: {  	_ =	shalt  }
0x78: {  	_ =	shalt  }
0x79: {  	_ =	shalt  }
0x7a: {  	_ =	shalt  }
0x7b: {  	_ =	shalt  }
0x7c: {  	_ =	shalt  }
0x7d: {  	_ =	shalt  }
0x7e: {  	_ =	shalt  }
0x7f: {  	_ =	shalt  }
0x80: {  	_ =	shalt  }
0x81: {  	_ =	shalt  }
0x82: {  	_ =	shalt  }
0x83: {  	_ =	shalt  }
0x84: {  	_ =	shalt  }
0x85: {  	_ =	shalt  }
0x86: {  	_ =	shalt  }
0x87: {  	_ =	shalt  }
.Lfunc_end0:
.L_simem_size_0:
called_computation_lowered:
.L_overlay_start_0:
0x88: {  	s2 =	sld [smem:$0x3FD9]  }
0x89: {  	s3 =	sld [smem:$0x3FFE];
	_ =	sdelay $0x1  }
0x8a: {  	s1 =	srdreg.scid  }
0x8b: {  	s0 =	sand.u32 $0x1, s1  }
0x8c: {  	s17 =	sshll.u32 s0, $0xA;
	s2 =	sadd.s32 s3, s2  }
0x8d: {  	s2 =	sadd.s32 s2, s17  }
0x8e: {  	[smem:$0x3FC6] =	sst s2  }
0x8f: {  	_ = 	snop  }
0x90: {  	s2 =	sld [smem:$0x3FC8];
	(tm) =	ssettm $0x1  }
0x91: {  	s18 =	sld [smem:$0x3FFB];
	_ =	sdelay $0x3  }
0x92: {  	_ =	strace s18  }
0x93: {  	s3 =	sld [smem:$0x3FFC];
	_ =	sdelay $0x3  }
0x94: {  	_ =	strace s3  }
0x95: {  	s3 =	sld [smem:$0x3FFD];
	_ =	sdelay $0x3  }
0x96: {  	_ =	strace s3  }
0x97: {  	_ =	strace $0x8FFFFFFF  }
0x98: {  	s19 =	sld [smem:$0x3FDB];
	_ =	sdelay $0x1  }
0x99: {  	s4 =	simm.s32 $_scs_section_size  }
0x9a: {  	s5 =	simm.s32 $_size__tile_overlayer_lowered;
	s6 =	simm.s32 $_tile_overlayer_lowered  }
0x9b: {  	s22 =	simm.s32 $0x1BFF;
	s21 =	sshll.u32 s6, $0x1;
	s3 =	sadd.s32 s4, s19  }
0x9c: {  	s7 =	simm.s32 $0x0;
	s20 =	sshll.u32 s5, $0x1;
	s5 =	sadd.s32 s21, s3  }
0x9d: {  	[timem:s7], [sflag:s22] =	dma.local [hbm:s5], s20  }
0x9e: {  	_ =	swait.ge [sflag:s22], s20  }
0x9f: {  	s4 =	ssub.s32 $0x0, s20;
	[sflag:s22] =	ssyncset.done $0x0  }
0xa0: {  	[sflag:s22] =	ssyncadd.s32 s4;
	_ =	sdelay $0x1  }
0xa1: {  	s23 =	simm.s32 $0x1B8B  }
0xa2: {  	_ =	swait.ge [sflag:s23], $0x1  }
0xa3: {  	[sflag:s23] =	ssyncset.done $0x0  }
0xa4: {  	s25 =	simm.s32 $0x1B8E;
	s24 =	sld [smem:$0x3FFE];
	[sflag:s23] =	ssyncadd.s32 $0xFFFFFFFF  }
0xa5: {  	s26 =	simm.s32 $execute0_lowered;
	[smem:$0x3FD2] =	sst s25  }
0xa6: {  	s5 =	sshll.u32 s26, $0x1;
	_ =	strace $0x80000046;
	[dreg:$0x1] =	wrdreg $0xFFFFFFFF  }
0xa7: {  	s28 =	simm.s32 $_size_execute0_lowered;
	s3 =	sadd.s32 s3, s5;
	[dreg:$0x0] =	wrdreg $0x0  }
0xa8: {  	s5 =	sshll.u32 s28, $0x1;
	[dreg:$0x2] =	wrdreg s3  }
0xa9: {  	[dreg:$0x3] =	wrdreg s5  }
0xaa: {  	[dreg:$0x4] =	wrdreg $0xC0  }
0xab: {  	_ =	task [dreg:s7], $0x5FFFF  }
0xac: {  	[dreg:$0x1] =	wrdreg $0xFFFFFFFF  }
0xad: {  	[dreg:$0x0] =	wrdreg $0x60  }
0xae: {  	[dreg:$0x2] =	wrdreg s2  }
0xaf: {  	[dreg:$0x3] =	wrdreg s24  }
0xb0: {  	[dreg:$0x4] =	wrdreg $0x9  }
0xb1: {  	_ =	task.clear_ibuf [dreg:s7], $0x5FFFF;
	_ =	strace $0x90000046  }
0xb2: {  	s29 =	simm.s32 $0x9;
	_ =	strace $0x80000048  }
0xb3: {  	_ =	swait.ge [sflag:s29], $0x1  }
0xb4: {  	[sflag:s29] =	ssyncadd.s32 $0xFFFFFFFF  }
0xb5: {  	_ =	strace $0x90000048  }
0xb6: {  	_ =	sfence  }
0xb7: {  	s30 =	sld [smem:$0x0];
	_ =	sdelay $0x2  }
0xb8: {  	s31 =	sshll.u32 s1, $0xD;
	s1 =	sshrl.u32 s1, $0x2  }
0xb9: {  	s3 =	sand.u32 $0x4000, s31;
	s1 =	sadd.s32 s1, s30  }
0xba: {  	s0 =	sor.u32 s3, s0;
	s1 =	sshll.u32 s1, $0x11  }
0xbb: {  	s0 =	sor.u32 s1, s0  }
0xbc: {  	s0 =	sadd.s32 $0x8F2B, s0  }
0xbd: {  	[sflag:s0] =	ssyncadd.remote.s32 $0x1  }
0xbe: {  	_ =	sfence.sel $0xFFFF  }
0xbf: {  	[dreg:$0x0] =	wrdreg $0xFFFFFFFF;
	(pc) =	sbr.abs _section_cstart, $3  }
0xc0: {  	[dreg:$0x1] =	wrdreg $0xFFFFFFFF  }
0xc1: {  	_ =	task.clear_ibuf [dreg:s7], $0x2FFFF;
	_ =	strace $0x9FFFFFFF  }
0xc2: {  	(tm) =	ssettm $0x7FFFFFFF  }
0xc3: {  	_ =	shalt  }
tec
execute0_lowered:
.L_overlay_start_1:
0x0: {  	(tag) =	ssettag $0x1  }
0x1: {  	s1 =	srdreg.scid;
	s4 =	rddreg [dreg:$0x0]  }
0x2: {  	s0 =	stileid.u32;
	s6 =	rddreg [dreg:$0x1];
	s2 =	simm.s32 $0x0  }
0x3: {  	s9 =	simm.s32 $0x80;
	s10 =	simm.s32 $0x400;
	s11 =	simm.s32 $0x1D80  }
0x4: {  	s12 =	simm.s32 $0x0;
	s3 =	sand.u32 $0x1, s1;
	s28 =	sshll.u32 s0, $0x1  }
0x5: {  	s29 =	sshrl.u32 s0, $0x2;
	s1 =	rddreg [dreg:$0x2];
	s5 =	sor.u32 s3, s28  }
0x6: {  	[smem:$0x7FF] =	sst s2;
	s7 =	smul.u32 $0xC00, s29;
	s8 =	sshll.u32 s5, $0x7  }
0x7: {  	p0 =	sgt.u32 s0, $0x4;
	_ =	strace $0x80000047;
	s8 =	sand.u32 $0x380, s8  }
0x8: {  	s3 =	ssub.s32 $0x2, s3;
	s30 =	smul.u32 $0x186, s5;
	s7 =	sor.u32 s7, s8  }
0x9: {  	s5 =	sshll.u32 s5, $0x1;
	s31 =	sshrl.u32 s3, $0x1;
	s7 =	sshrl.u32 s7, $0x3  }
0xa: {  	s5 =	sadd.s32 s5, s4;
	s8 =	simm.s32 $0xC80;
	s6 =	sadd.s32 s7, s6  }
0xb: {  	v1 =	vlaneseq.u32;
	s7 =	ssub.s32 s3, s31;
	s3 =	sadd.s32 s4, s30;
	s4 =	sadd.s32 $0x30C0, s5  }
0xc: {  	v0 =	vimm.f32 $0.0e+00;
	v2 =	vimm.f32 $1.000000000e+00;
	v1 =	vmul.u32 $0x110, v1;
	s5 =	sadd.s32 $0x600, s6;
	s6 =	smax.u32 s7, $0x1;
	s7 =	simm.s32 $0x1  }
.LBB2_1:
0xd: {  	[tilespmem:s2], [sflag:$0x1] =	stream.linear.gather [hbm4b:s3+s2], $0xC30, $0x38;
	[tilespmem:$0x1F00] =	vst v63  }
0xe: {  	_ =	swait.ge [sflag:s7], $0xC30  }
0xf: {  	[sflag:s7] =	ssyncset.done $0x0  }
0x10: {  	s13 =	simm.s32 @!p0 $0x0;
	s14 =	simm.s32 @!p0 $0xC30;
	[sflag:s7] =	ssyncadd.s32 $0xFFFFF3D0  }
0x11: {  	[tilespmem:s14], [sflag:$0x1] =	stream.linear.gather @!p0 [hbm4b:s4+s13], $0x10, $0x38;
	[tilespmem:$0x1F00] =	vst v63  }
0x12: {  	s13 =	simm.s32 @!p0 $0x1  }
0x13: {  	_ =	swait.ge @!p0 [sflag:s13], $0x10  }
0x14: {  	[sflag:s13] =	ssyncset.done @!p0 $0x0  }
0x15: {  	[sflag:s13] =	ssyncadd.s32 @!p0 $0xFFFFFFF0;
	s13 =	simm.s32 $0x0  }
.LBB2_2:
0x16: {  	p1 =	sne.s32 s13, $0x43C0  }
.Ltmp0:
0x17: {  	_ = 	snop;
	(pc) =	sbr.rel @p1 .LBB2_2-.Ltmp0, $3  }
0x18: {  	_ =	sdelay $0x1  }
0x19: {  	s14 =	sshra.s32 s13, $0x2  }
0x1a: {  	s13 =	sadd.s32 $0x40, s13;
	[tilespmem:s14+$0xC80] =	vst v0  }
0x1b: {  	s14 =	simm.s32 $0x0;
	s13 =	simm.s32 $0x40  }
.LBB2_4:
0x1c: {  	p1 =	sne.s32 s13, $0x3080;
	v3 =	vld [tilespmem:s14+$0x0];
	_ =	sdelay $0x4  }
0x1d: {  	v3 =	vadd.s32 v1, v3  }
.Ltmp1:
0x1e: {  	(pc) =	sbr.rel @p1 .LBB2_4-.Ltmp1, $2  }
0x1f: {  	_ =	sdelay $0x2  }
0x20: {  	s14 =	sshra.s32 s13, $0x2;
	s13 =	sadd.s32 $0x40, s13;
	[tilespmem:v3+s8+$0x0] =	vst.idx.add.f32.msk $0xffff, v2  }
0x21: {  	v3 =	vld [tilespmem:s14+$0x0];
	_ =	sdelay $0x4  }
0x22: {  	v3 =	vadd.s32 v1, v3;
	_ =	sdelay $0x4  }
0x23: {  	[tilespmem:v3+s8+$0x0] =	vst.idx.add.f32.msk $0xffff, v2  }
0x24: {  	v3 =	vld @!p0 [tilespmem:$0xC30];
	_ =	sdelay $0x1  }
0x25: {  	v4 =	vlaneseq.u32 @!p0  }
0x26: {  	v4 =	vmul.u32 @!p0 $0x110, v4;
	_ =	sdelay $0x1  }
0x27: {  	v3 =	vadd.s32 @!p0 v4, v3;
	_ =	sdelay $0x3  }
0x28: {  	s13 =	simm.s32 @!p0 $0xC80;
	v4 =	vimm.f32 @!p0 $1.000000000e+00  }
0x29: {  	s30 =	simm.s32 $0x1610;
	[tilespmem:v3+s13+$0x0] =	vst.idx.add.f32.msk @!p0 $0xffff, v4  }
0x2a: {  	v3 =	vld [tilespmem:s30+$0xFFFFF670];
	_ =	sdelay $0x1  }
0x2b: {  	v4 =	vld [tilespmem:s30+$0xFFFFF780];
	_ =	sdelay $0x1  }
0x2c: {  	v5 =	vld [tilespmem:s30+$0xFFFFF890]  }
0x2d: {  	v3 =	vadd.f32 $0.0e+00, v3  }
0x2e: {  	v6 =	vld [tilespmem:s30+$0xFFFFF9A0]  }
0x2f: {  	v3 =	vadd.f32 v4, v3  }
0x30: {  	v4 =	vld [tilespmem:s30+$0xFFFFFAB0]  }
0x31: {  	v3 =	vadd.f32 v5, v3  }
0x32: {  	v5 =	vld [tilespmem:s30+$0xFFFFFBC0]  }
0x33: {  	v3 =	vadd.f32 v6, v3  }
0x34: {  	v60 =	vld [tilespmem:s30+$0xFFFFFCD0]  }
0x35: {  	v3 =	vadd.f32 v4, v3  }
0x36: {  	s31 =	simm.s32 $0x0;
	v4 =	vld [tilespmem:s30+$0xFFFFFDE0]  }
0x37: {  	s14 =	sand.u32 $0x1F0, s31;
	v3 =	vadd.f32 v5, v3  }
0x38: {  	v5 =	vld [tilespmem:s14+$0x1500]  }
0x39: {  	v3 =	vadd.f32 v60, v3  }
0x3a: {  	v61 =	vld [tilespmem:s30+$0x0]  }
0x3b: {  	v3 =	vadd.f32 v4, v3  }
0x3c: {  	v4 =	vld [tilespmem:s30+$0x110]  }
0x3d: {  	v3 =	vadd.f32 v5, v3  }
0x3e: {  	v5 =	vld [tilespmem:s30+$0x220]  }
0x3f: {  	v3 =	vadd.f32 v61, v3  }
0x40: {  	v62 =	vld [tilespmem:s30+$0x330]  }
0x41: {  	v3 =	vadd.f32 v4, v3  }
0x42: {  	v4 =	vld [tilespmem:s30+$0x440]  }
0x43: {  	v3 =	vadd.f32 v5, v3  }
0x44: {  	v5 =	vld [tilespmem:s30+$0x550]  }
0x45: {  	v3 =	vadd.f32 v62, v3  }
0x46: {  	v63 =	vld [tilespmem:s30+$0x660]  }
0x47: {  	v3 =	vadd.f32 v4, v3;
	_ =	sdelay $0x1  }
0x48: {  	v3 =	vadd.f32 v5, v3;
	_ =	sdelay $0x1  }
0x49: {  	v3 =	vadd.f32 v63, v3  }
0x4a: {  	s13 =	simm.s32 $0x1D80  }
0x4b: {  	s14 =	simm.s32 $0x1620;
	[tilespmem:s13+$0x0] =	vst v3  }
0x4c: {  	s15 =	simm.s32 $0x10;
	s16 =	simm.s32 $0x20;
	v3 =	vld [tilespmem:s14+$0xFFFFF670]  }
.LBB2_6:
0x4d: {  	p1 =	sne.s32 s16, $0x100  }
0x4e: {  	v4 =	vld [tilespmem:s14+$0xFFFFF780];
	_ =	sdelay $0x1  }
0x4f: {  	v5 =	vld [tilespmem:s14+$0xFFFFF890]  }
0x50: {  	v3 =	vadd.f32 $0.0e+00, v3  }
0x51: {  	v6 =	vld [tilespmem:s14+$0xFFFFF9A0]  }
0x52: {  	v3 =	vadd.f32 v4, v3  }
0x53: {  	v4 =	vld [tilespmem:s14+$0xFFFFFAB0]  }
0x54: {  	v3 =	vadd.f32 v5, v3  }
0x55: {  	v5 =	vld [tilespmem:s14+$0xFFFFFBC0]  }
0x56: {  	v3 =	vadd.f32 v6, v3  }
0x57: {  	v6 =	vld [tilespmem:s14+$0xFFFFFCD0]  }
0x58: {  	v3 =	vadd.f32 v4, v3  }
0x59: {  	v4 =	vld [tilespmem:s14+$0xFFFFFDE0]  }
0x5a: {  	s17 =	sand.u32 $0x1F0, s15;
	s15 =	smov.u32 s16;
	v3 =	vadd.f32 v5, v3  }
0x5b: {  	v5 =	vld [tilespmem:s17+$0x1500]  }
0x5c: {  	v3 =	vadd.f32 v6, v3  }
0x5d: {  	v6 =	vld [tilespmem:s14+$0x0]  }
0x5e: {  	v3 =	vadd.f32 v4, v3  }
0x5f: {  	v4 =	vld [tilespmem:s14+$0x110]  }
0x60: {  	v3 =	vadd.f32 v5, v3  }
0x61: {  	v5 =	vld [tilespmem:s14+$0x220]  }
0x62: {  	v3 =	vadd.f32 v6, v3  }
0x63: {  	v6 =	vld [tilespmem:s14+$0x330]  }
0x64: {  	v3 =	vadd.f32 v4, v3  }
0x65: {  	v4 =	vld [tilespmem:s14+$0x440]  }
0x66: {  	v3 =	vadd.f32 v5, v3  }
0x67: {  	v5 =	vld [tilespmem:s14+$0x550]  }
0x68: {  	v3 =	vadd.f32 v6, v3  }
0x69: {  	v6 =	vld [tilespmem:s14+$0x660]  }
0x6a: {  	v3 =	vadd.f32 v4, v3;
	_ =	sdelay $0x1  }
0x6b: {  	v3 =	vadd.f32 v5, v3  }
.Ltmp2:
0x6c: {  	(pc) =	sbr.rel @p1 .LBB2_6-.Ltmp2, $4  }
0x6d: {  	v3 =	vadd.f32 v6, v3  }
0x6e: {  	s13 =	sadd.s32 $0x10, s13  }
0x6f: {  	s14 =	sadd.s32 $0x10, s14;
	[tilespmem:s13+$0x0] =	vst v3  }
0x70: {  	s16 =	sadd.s32 $0x10, s16;
	v3 =	vld [tilespmem:s14+$0xFFFFF670]  }
0x71: {  	_ = 	snop  }
0x72: {  	v4 =	vld [tilespmem:s14+$0xFFFFF780];
	_ =	sdelay $0x1  }
0x73: {  	v5 =	vld [tilespmem:s14+$0xFFFFF890]  }
0x74: {  	v3 =	vadd.f32 $0.0e+00, v3  }
0x75: {  	v6 =	vld [tilespmem:s14+$0xFFFFF9A0]  }
0x76: {  	v3 =	vadd.f32 v4, v3  }
0x77: {  	v52 =	vld [tilespmem:s14+$0xFFFFFAB0]  }
0x78: {  	v3 =	vadd.f32 v5, v3  }
0x79: {  	v53 =	vld [tilespmem:s14+$0xFFFFFBC0]  }
0x7a: {  	v3 =	vadd.f32 v6, v3  }
0x7b: {  	v54 =	vld [tilespmem:s14+$0xFFFFFCD0]  }
0x7c: {  	v3 =	vadd.f32 v52, v3  }
0x7d: {  	v55 =	vld [tilespmem:s14+$0xFFFFFDE0]  }
0x7e: {  	s15 =	sand.u32 $0x1F0, s15;
	v3 =	vadd.f32 v53, v3  }
0x7f: {  	v56 =	vld [tilespmem:s15+$0x1500]  }
0x80: {  	v3 =	vadd.f32 v54, v3  }
0x81: {  	v57 =	vld [tilespmem:s14+$0x0]  }
0x82: {  	v3 =	vadd.f32 v55, v3  }
0x83: {  	v58 =	vld [tilespmem:s14+$0x110]  }
0x84: {  	v3 =	vadd.f32 v56, v3  }
0x85: {  	v59 =	vld [tilespmem:s14+$0x220]  }
0x86: {  	v3 =	vadd.f32 v57, v3  }
0x87: {  	v60 =	vld [tilespmem:s14+$0x330]  }
0x88: {  	v3 =	vadd.f32 v58, v3  }
0x89: {  	v61 =	vld [tilespmem:s14+$0x440]  }
0x8a: {  	v3 =	vadd.f32 v59, v3  }
0x8b: {  	v62 =	vld [tilespmem:s14+$0x550]  }
0x8c: {  	v3 =	vadd.f32 v60, v3  }
0x8d: {  	v63 =	vld [tilespmem:s14+$0x660]  }
0x8e: {  	v3 =	vadd.f32 v61, v3;
	_ =	sdelay $0x1  }
0x8f: {  	v3 =	vadd.f32 v62, v3;
	_ =	sdelay $0x1  }
0x90: {  	s12 =	sadd.s32 $0x1, s12;
	v3 =	vadd.f32 v63, v3  }
0x91: {  	s13 =	sadd.s32 $0x10, s13;
	p1 =	sne.s32 s12, s6  }
.Ltmp3:
0x92: {  	[tilespmem:s13+$0x0] =	vst v3;
	(pc) =	sbr.rel @p1 .LBB2_1-.Ltmp3, $4  }
0x93: {  	[hbm4b:s5+s9] =	stream.strided.scatter [tilespmem:s11], [sflag:$0x1], $0x180, s10, s9, $0x38;
	[tilespmem:$0x1F00] =	vst v63  }
0x94: {  	_ =	swait.ge [sflag:s7], $0x180  }
0x95: {  	[sflag:s7] =	ssyncset.done $0x0  }
0x96: {  	[sflag:s7] =	ssyncadd.s32 $0xFFFFFE80  }
0x97: {  	_ =	sfence.sel $0x180000  }
0x98: {  	[bflag:$0x0] =	sbarrier.arrive $0xFFFF  }
0x99: {  	p0 =	sne.s32 s0, $0x0;
	_ =	strace $0x90000047  }
0x9a: {  	s0 =	sadd.s32 @!p0 $0x100000, s1;
	[bflag:$0x2] =	sbarrier.arrive $0xFFFF  }
0x9b: {  	[sflag:s0] =	ssyncadd.tile.s32 @!p0 $0x1;
	_ =	shalt  }
.Lfunc_end2:
_tile_overlayer_lowered:
.L_overlay_start_2:
0x9c: {  	(tag) =	ssettag $0x2  }
0x9d: {  	s0 =	rddreg [dreg:$0x0];
	s2 =	stileid.u32  }
0x9e: {  	s1 =	rddreg [dreg:$0x1];
	p0 =	sne.s32 s2, $0x0  }
0x9f: {  	s3 =	rddreg [dreg:$0x2];
	[bflag:$0x3] =	sbarrier.arrive $0xFFFF;
	s2 =	simm.s32 @!p0 $0x1C01  }
0xa0: {  	[timem:s3], [sflag:s2] =	dma.local @!p0 [hbm:s0], s1  }
0xa1: {  	s0 =	simm.s32 @!p0 $0x1  }
0xa2: {  	_ =	swait.ge @!p0 [sflag:s0], s1  }
0xa3: {  	s1 =	ssub.s32 @!p0 $0x0, s1;
	[sflag:s0] =	ssyncset.done @!p0 $0x0  }
0xa4: {  	[sflag:s0] =	ssyncadd.s32 @!p0 s1  }
0xa5: {  	[bflag:$0x3] =	sbarrier.arrive $0xFFFF  }
0xa6: {  	_ =	shalt  }

</sc_bundles>
